<compile_context>
chip_gen: v7x
topology: tpu7x:2x2x1
jax: 0.10.2.dev20260603
libtpu: 0.0.44.dev20260713+nightly
codegen_flags: <defaults>
</compile_context>

<pallas_src>
import functools

import jax
import jax.numpy as jnp
from jax import lax
from jax.experimental import pallas as pl
from jax.experimental.pallas import tpu as pltpu
from jax.experimental.pallas import tpu_sc as plsc

_DIM = 128
_NTRI = 4096
_MARGIN = 1.0
_C = 0.25

_NC = 2
_NS = 16
_NW = _NC * _NS
_TPW = _NTRI // _NW
_NG = _TPW // 16


def _sc_loss_partials(idx_all, entity_emb, relation_emb):
    mesh = plsc.VectorSubcoreMesh(core_axis_name="c", subcore_axis_name="s")

    @functools.partial(
        pl.kernel,
        out_type=jax.ShapeDtypeStruct((_NW, 48), jnp.float32),
        mesh=mesh,
        compiler_params=pltpu.CompilerParams(needs_layout_passes=False),
        scratch_types=[
            pltpu.VMEM((6, _TPW), jnp.int32),
            pltpu.VMEM((_TPW, _DIM), jnp.float32),
            pltpu.VMEM((_TPW, _DIM), jnp.float32),
            pltpu.VMEM((_TPW, _DIM), jnp.float32),
            pltpu.VMEM((_TPW, _DIM), jnp.float32),
            pltpu.VMEM((_TPW, _DIM), jnp.float32),
            pltpu.VMEM((_TPW, _DIM), jnp.float32),
            pltpu.VMEM((48,), jnp.float32),
            pltpu.SemaphoreType.DMA,
        ],
    )
    def k(idx_hbm, ent_hbm, rel_hbm, out_hbm,
          idx_v, hp_v, rp_v, tp_v, hn_v, rn_v, tn_v, out_v, sem):
        wid = lax.axis_index("s") * _NC + lax.axis_index("c")
        base = wid * _TPW

        pltpu.sync_copy(idx_hbm.at[:, pl.ds(base, _TPW)], idx_v)
        cps = [
            pltpu.async_copy(ent_hbm.at[idx_v.at[0]], hp_v, sem),
            pltpu.async_copy(rel_hbm.at[idx_v.at[1]], rp_v, sem),
            pltpu.async_copy(ent_hbm.at[idx_v.at[2]], tp_v, sem),
            pltpu.async_copy(ent_hbm.at[idx_v.at[3]], hn_v, sem),
            pltpu.async_copy(rel_hbm.at[idx_v.at[4]], rn_v, sem),
            pltpu.async_copy(ent_hbm.at[idx_v.at[5]], tn_v, sem),
        ]
        for cp in cps:
            cp.wait()

        lanes = lax.iota(jnp.int32, 16)
        zero = jnp.zeros((16,), jnp.float32)
        one = jnp.full((16,), 1.0, jnp.float32)

        def sqrt16(x):
            i = lax.bitcast_convert_type(x, jnp.int32)
            i = 0x5F3759DF - lax.shift_right_arithmetic(i, 1)
            y = lax.bitcast_convert_type(i, jnp.float32)
            for _ in range(3):
                y = y * (1.5 - 0.5 * x * y * y)
            return x * y

        def group_body(g, carry):
            acc_m, acc_pe, acc_pr = carry
            rows = g * 16 + lanes

            def dim_body(j, c):
                dd_p, dd_n, hh_p, tt_p, rr_p, hh_n, tt_n, rr_n = c
                cols = jnp.full((16,), j, jnp.int32)
                hp = plsc.load_gather(hp_v, [rows, cols])
                rp = plsc.load_gather(rp_v, [rows, cols])
                tp = plsc.load_gather(tp_v, [rows, cols])
                hn = plsc.load_gather(hn_v, [rows, cols])
                rn = plsc.load_gather(rn_v, [rows, cols])
                tn = plsc.load_gather(tn_v, [rows, cols])
                dp = hp + rp - tp
                dn = hn + rn - tn
                return (dd_p + dp * dp, dd_n + dn * dn,
                        hh_p + hp * hp, tt_p + tp * tp, rr_p + rp * rp,
                        hh_n + hn * hn, tt_n + tn * tn, rr_n + rn * rn)

            dd_p, dd_n, hh_p, tt_p, rr_p, hh_n, tt_n, rr_n = lax.fori_loop(
                0, _DIM, dim_body, (zero, zero, zero, zero, zero, zero, zero, zero))

            pos = sqrt16(dd_p)
            neg = sqrt16(dd_n)
            acc_m = acc_m + jnp.maximum(pos - neg + _MARGIN, 0.0)
            acc_pe = (acc_pe
                      + jnp.maximum(hh_p - one, 0.0) + jnp.maximum(tt_p - one, 0.0)
                      + jnp.maximum(hh_n - one, 0.0) + jnp.maximum(tt_n - one, 0.0))
            acc_pr = acc_pr + jnp.maximum(rr_p - one, 0.0) + jnp.maximum(rr_n - one, 0.0)
            return acc_m, acc_pe, acc_pr

        acc_m, acc_pe, acc_pr = lax.fori_loop(
            0, _NG, group_body, (zero, zero, zero))

        out_v[pl.ds(0, 16)] = acc_m
        out_v[pl.ds(16, 16)] = acc_pe
        out_v[pl.ds(32, 16)] = acc_pr
        pltpu.sync_copy(out_v, out_hbm.at[wid])

    return k(idx_all, entity_emb, relation_emb)


def kernel(current_triples, corrupted_triples, entity_emb, relation_emb):
    idx_all = jnp.concatenate(
        [current_triples.T, corrupted_triples.T], axis=0).astype(jnp.int32)
    parts = _sc_loss_partials(idx_all, entity_emb, relation_emb)
    margin_sum = jnp.sum(parts[:, 0:16])
    ent_pen = jnp.sum(parts[:, 16:32])
    rel_pen = jnp.sum(parts[:, 32:48])
    loss = margin_sum / _NTRI
    return loss + _C * (ent_pen / (4 * _NTRI) + rel_pen / (2 * _NTRI))

# --- scband reference (transcript-rebuilt; emitter-appended) ---
"""Pipeline reference for scband-e-41403484733618 (READ-ONLY COPY).

The authoritative reference and input builder live on the scoring server;
editing this copy changes nothing except your own understanding.
"""

import jax, jax.numpy as jnp
import numpy as np

ENTITY_NUM = 100000
RELATION_NUM = 100000
DIM = 128
MARGIN = 1.0
C = 0.25


def _row_normalize(w):
    return w / jnp.sqrt(jnp.sum(w * w, axis=1, keepdims=True))


def setup_inputs(seed: int = 0) -> dict:
    key = jax.random.key(seed)
    k1, k2, k3, k4 = jax.random.split(key, 4)
    current_triples = jax.random.randint(k1, (4096, 3), 0, ENTITY_NUM)
    corrupted_triples = jax.random.randint(k2, (4096, 3), 0, ENTITY_NUM)
    # xavier-uniform init followed by row normalization (as in __data_init)
    lim_e = float(np.sqrt(6.0 / (ENTITY_NUM + DIM)))
    lim_r = float(np.sqrt(6.0 / (RELATION_NUM + DIM)))
    entity_emb = _row_normalize(jax.random.uniform(k3, (ENTITY_NUM, DIM), minval=-lim_e, maxval=lim_e, dtype=jnp.float32))
    relation_emb = _row_normalize(jax.random.uniform(k4, (RELATION_NUM, DIM), minval=-lim_r, maxval=lim_r, dtype=jnp.float32))
    return {
        "current_triples": current_triples,
        "corrupted_triples": corrupted_triples,
        "entity_emb": entity_emb,
        "relation_emb": relation_emb,
    }


def _distance(entity_emb, relation_emb, h, r, t):
    head = jnp.take(entity_emb, h, axis=0)
    rel = jnp.take(relation_emb, r, axis=0)
    tail = jnp.take(entity_emb, t, axis=0)
    d = head + rel - tail
    # torch.norm(d, p=2, dim=1)
    return jnp.sqrt(jnp.sum(d * d, axis=1))


def _scale_loss(emb):
    sq = jnp.sum(emb * emb, axis=1, keepdims=True) - 1.0
    return jnp.sum(jnp.maximum(sq, 0.0))


def reference(current_triples, corrupted_triples, entity_emb, relation_emb):
    h, r, t = current_triples[:, 0], current_triples[:, 1], current_triples[:, 2]
    h_c, r_c, t_c = corrupted_triples[:, 0], corrupted_triples[:, 1], corrupted_triples[:, 2]
    pos = _distance(entity_emb, relation_emb, h, r, t)
    neg = _distance(entity_emb, relation_emb, h_c, r_c, t_c)
    ent_idx = jnp.concatenate([h, t, h_c, t_c])
    rel_idx = jnp.concatenate([r, r_c])
    entity_g = jnp.take(entity_emb, ent_idx, axis=0)
    relation_g = jnp.take(relation_emb, rel_idx, axis=0)
    # MarginRankingLoss(margin, mean) with y = -1: mean(max(0, (pos - neg) + margin))
    loss = jnp.mean(jnp.maximum(0.0, (pos - neg) + MARGIN))
    ent_scale = _scale_loss(entity_g)
    rel_scale = _scale_loss(relation_g)
    return loss + C * (ent_scale / entity_g.shape[0] + rel_scale / relation_g.shape[0])

if __name__ == "__main__":
    import jax
    _d = setup_inputs()
    print(jax.jit(kernel)(*tuple(_d.values())))

</pallas_src>

<mosaic_0001>
#map = affine_map<(d0, d1) -> (0, 0)>
module attributes {stable_mosaic.version = 14 : i64} {
  func.func @k(%arg0: i32, %arg1: i32, %arg2: memref<6x4096xi32, #tpu.memory_space<hbm>>, %arg3: memref<100000x128xf32, #tpu.memory_space<hbm>>, %arg4: memref<100000x128xf32, #tpu.memory_space<hbm>>, %arg5: memref<32x48xf32, #tpu.memory_space<hbm>>, %arg6: memref<6x128xi32, #tpu.memory_space<vmem>>, %arg7: memref<128x128xf32, #tpu.memory_space<vmem>>, %arg8: memref<128x128xf32, #tpu.memory_space<vmem>>, %arg9: memref<128x128xf32, #tpu.memory_space<vmem>>, %arg10: memref<128x128xf32, #tpu.memory_space<vmem>>, %arg11: memref<128x128xf32, #tpu.memory_space<vmem>>, %arg12: memref<128x128xf32, #tpu.memory_space<vmem>>, %arg13: memref<48xf32, #tpu.memory_space<vmem>>, %arg14: memref<!tpu.dma_semaphore, #tpu.memory_space<semaphore_mem>>) attributes {dimension_semantics = [#tpu.dimension_semantics<core_parallel>, #tpu.dimension_semantics<subcore_parallel>], iteration_bounds = array<i64: 2, 16>, scalar_prefetch = 0 : i64, scratch_operands = 9 : i64, tpu.core_type = #tpu.core_type<sc_vector_subcore>, window_params = [{transform_indices = #map}, {transform_indices = #map}, {transform_indices = #map}, {transform_indices = #map}]} {
    %mul3A = arith.constant 2 : i32
    %mul3A_0 = arith.muli %arg1, %mul3A : i32
    %add3A = arith.addi %mul3A_0, %arg0 : i32
    %mul3A_1 = arith.constant 128 : i32
    %mul3A_2 = arith.muli %add3A, %mul3A_1 : i32
    "tpu.region"() ({
      %run_scoped3A = tpu.sem_alloc : memref<!tpu.dma_semaphore, #tpu.memory_space<semaphore_mem>>
      %dma_start3A_98 = arith.constant 0 : i32
      %dma_start3A_99 = tpu.memref_slice %arg2[%dma_start3A_98, %mul3A_2] : memref<6x4096xi32, #tpu.memory_space<hbm>> -> memref<6x128xi32, #tpu.memory_space<hbm>>
      %dma_start3A_100 = arith.constant 0 : i32
      %dma_start3A_101 = tpu.memref_slice %arg2[%dma_start3A_100, %mul3A_2] : memref<6x4096xi32, #tpu.memory_space<hbm>> -> memref<6x128xi32, #tpu.memory_space<hbm>>
      tpu.enqueue_dma source(%dma_start3A_101 : memref<6x128xi32, #tpu.memory_space<hbm>>) target(%arg6 : memref<6x128xi32, #tpu.memory_space<vmem>>) target_semaphore(%run_scoped3A : memref<!tpu.dma_semaphore, #tpu.memory_space<semaphore_mem>>)
      %dma_wait3A_102 = arith.constant 0 : i32
      %dma_wait3A_103 = tpu.memref_slice %arg2[%dma_wait3A_102, %mul3A_2] : memref<6x4096xi32, #tpu.memory_space<hbm>> -> memref<6x128xi32, #tpu.memory_space<hbm>>
      %dma_wait3A_104 = arith.constant 0 : i32
      %dma_wait3A_105 = tpu.memref_slice %arg2[%dma_wait3A_104, %mul3A_2] : memref<6x4096xi32, #tpu.memory_space<hbm>> -> memref<6x128xi32, #tpu.memory_space<hbm>>
      tpu.wait_dma2 semaphore(%run_scoped3A : memref<!tpu.dma_semaphore, #tpu.memory_space<semaphore_mem>>) src(%dma_wait3A_105 : memref<6x128xi32, #tpu.memory_space<hbm>>) dst(%arg6 : memref<6x128xi32, #tpu.memory_space<vmem>>)
      tpu.yield
    }) : () -> ()
    %dma_start3A = arith.constant 0 : i32
    %dma_start3A_3 = arith.constant 0 : i32
    %dma_start3A_4 = tpu.memref_slice %arg6[%dma_start3A, %dma_start3A_3] : memref<6x128xi32, #tpu.memory_space<vmem>> -> memref<1x128xi32, #tpu.memory_space<vmem>>
    %dma_start3A_5 = tpu.memref_squeeze %dma_start3A_4 : memref<1x128xi32, #tpu.memory_space<vmem>> -> memref<128xi32, #tpu.memory_space<vmem>>
    %dma_start3A_6 = arith.constant 0 : i32
    %dma_start3A_7 = arith.constant 0 : i32
    %dma_start3A_8 = tpu.memref_slice %arg3[%dma_start3A_6, %dma_start3A_7] : memref<100000x128xf32, #tpu.memory_space<hbm>> -> memref<100000x128xf32, #tpu.memory_space<hbm>>
    tpu.enqueue_indirect_dma source(%dma_start3A_8 : memref<100000x128xf32, #tpu.memory_space<hbm>>) target(%arg7 : memref<128x128xf32, #tpu.memory_space<vmem>>) offsets(%dma_start3A_5 : memref<128xi32, #tpu.memory_space<vmem>>) semaphore(%arg14 : memref<!tpu.dma_semaphore, #tpu.memory_space<semaphore_mem>>)
    %dma_start3A_9 = arith.constant 1 : i32
    %dma_start3A_10 = arith.constant 0 : i32
    %dma_start3A_11 = tpu.memref_slice %arg6[%dma_start3A_9, %dma_start3A_10] : memref<6x128xi32, #tpu.memory_space<vmem>> -> memref<1x128xi32, #tpu.memory_space<vmem>>
    %dma_start3A_12 = tpu.memref_squeeze %dma_start3A_11 : memref<1x128xi32, #tpu.memory_space<vmem>> -> memref<128xi32, #tpu.memory_space<vmem>>
    %dma_start3A_13 = arith.constant 0 : i32
    %dma_start3A_14 = arith.constant 0 : i32
    %dma_start3A_15 = tpu.memref_slice %arg4[%dma_start3A_13, %dma_start3A_14] : memref<100000x128xf32, #tpu.memory_space<hbm>> -> memref<100000x128xf32, #tpu.memory_space<hbm>>
    tpu.enqueue_indirect_dma source(%dma_start3A_15 : memref<100000x128xf32, #tpu.memory_space<hbm>>) target(%arg8 : memref<128x128xf32, #tpu.memory_space<vmem>>) offsets(%dma_start3A_12 : memref<128xi32, #tpu.memory_space<vmem>>) semaphore(%arg14 : memref<!tpu.dma_semaphore, #tpu.memory_space<semaphore_mem>>)
    %dma_start3A_16 = arith.constant 2 : i32
    %dma_start3A_17 = arith.constant 0 : i32
    %dma_start3A_18 = tpu.memref_slice %arg6[%dma_start3A_16, %dma_start3A_17] : memref<6x128xi32, #tpu.memory_space<vmem>> -> memref<1x128xi32, #tpu.memory_space<vmem>>
    %dma_start3A_19 = tpu.memref_squeeze %dma_start3A_18 : memref<1x128xi32, #tpu.memory_space<vmem>> -> memref<128xi32, #tpu.memory_space<vmem>>
    %dma_start3A_20 = arith.constant 0 : i32
    %dma_start3A_21 = arith.constant 0 : i32
    %dma_start3A_22 = tpu.memref_slice %arg3[%dma_start3A_20, %dma_start3A_21] : memref<100000x128xf32, #tpu.memory_space<hbm>> -> memref<100000x128xf32, #tpu.memory_space<hbm>>
    tpu.enqueue_indirect_dma source(%dma_start3A_22 : memref<100000x128xf32, #tpu.memory_space<hbm>>) target(%arg9 : memref<128x128xf32, #tpu.memory_space<vmem>>) offsets(%dma_start3A_19 : memref<128xi32, #tpu.memory_space<vmem>>) semaphore(%arg14 : memref<!tpu.dma_semaphore, #tpu.memory_space<semaphore_mem>>)
    %dma_start3A_23 = arith.constant 3 : i32
    %dma_start3A_24 = arith.constant 0 : i32
    %dma_start3A_25 = tpu.memref_slice %arg6[%dma_start3A_23, %dma_start3A_24] : memref<6x128xi32, #tpu.memory_space<vmem>> -> memref<1x128xi32, #tpu.memory_space<vmem>>
    %dma_start3A_26 = tpu.memref_squeeze %dma_start3A_25 : memref<1x128xi32, #tpu.memory_space<vmem>> -> memref<128xi32, #tpu.memory_space<vmem>>
    %dma_start3A_27 = arith.constant 0 : i32
    %dma_start3A_28 = arith.constant 0 : i32
    %dma_start3A_29 = tpu.memref_slice %arg3[%dma_start3A_27, %dma_start3A_28] : memref<100000x128xf32, #tpu.memory_space<hbm>> -> memref<100000x128xf32, #tpu.memory_space<hbm>>
    tpu.enqueue_indirect_dma source(%dma_start3A_29 : memref<100000x128xf32, #tpu.memory_space<hbm>>) target(%arg10 : memref<128x128xf32, #tpu.memory_space<vmem>>) offsets(%dma_start3A_26 : memref<128xi32, #tpu.memory_space<vmem>>) semaphore(%arg14 : memref<!tpu.dma_semaphore, #tpu.memory_space<semaphore_mem>>)
    %dma_start3A_30 = arith.constant 4 : i32
    %dma_start3A_31 = arith.constant 0 : i32
    %dma_start3A_32 = tpu.memref_slice %arg6[%dma_start3A_30, %dma_start3A_31] : memref<6x128xi32, #tpu.memory_space<vmem>> -> memref<1x128xi32, #tpu.memory_space<vmem>>
    %dma_start3A_33 = tpu.memref_squeeze %dma_start3A_32 : memref<1x128xi32, #tpu.memory_space<vmem>> -> memref<128xi32, #tpu.memory_space<vmem>>
    %dma_start3A_34 = arith.constant 0 : i32
    %dma_start3A_35 = arith.constant 0 : i32
    %dma_start3A_36 = tpu.memref_slice %arg4[%dma_start3A_34, %dma_start3A_35] : memref<100000x128xf32, #tpu.memory_space<hbm>> -> memref<100000x128xf32, #tpu.memory_space<hbm>>
    tpu.enqueue_indirect_dma source(%dma_start3A_36 : memref<100000x128xf32, #tpu.memory_space<hbm>>) target(%arg11 : memref<128x128xf32, #tpu.memory_space<vmem>>) offsets(%dma_start3A_33 : memref<128xi32, #tpu.memory_space<vmem>>) semaphore(%arg14 : memref<!tpu.dma_semaphore, #tpu.memory_space<semaphore_mem>>)
    %dma_start3A_37 = arith.constant 5 : i32
    %dma_start3A_38 = arith.constant 0 : i32
    %dma_start3A_39 = tpu.memref_slice %arg6[%dma_start3A_37, %dma_start3A_38] : memref<6x128xi32, #tpu.memory_space<vmem>> -> memref<1x128xi32, #tpu.memory_space<vmem>>
    %dma_start3A_40 = tpu.memref_squeeze %dma_start3A_39 : memref<1x128xi32, #tpu.memory_space<vmem>> -> memref<128xi32, #tpu.memory_space<vmem>>
    %dma_start3A_41 = arith.constant 0 : i32
    %dma_start3A_42 = arith.constant 0 : i32
    %dma_start3A_43 = tpu.memref_slice %arg3[%dma_start3A_41, %dma_start3A_42] : memref<100000x128xf32, #tpu.memory_space<hbm>> -> memref<100000x128xf32, #tpu.memory_space<hbm>>
    tpu.enqueue_indirect_dma source(%dma_start3A_43 : memref<100000x128xf32, #tpu.memory_space<hbm>>) target(%arg12 : memref<128x128xf32, #tpu.memory_space<vmem>>) offsets(%dma_start3A_40 : memref<128xi32, #tpu.memory_space<vmem>>) semaphore(%arg14 : memref<!tpu.dma_semaphore, #tpu.memory_space<semaphore_mem>>)
    %dma_wait3A = arith.constant 0 : i32
    %dma_wait3A_44 = arith.constant 0 : i32
    %dma_wait3A_45 = tpu.memref_slice %arg6[%dma_wait3A, %dma_wait3A_44] : memref<6x128xi32, #tpu.memory_space<vmem>> -> memref<1x128xi32, #tpu.memory_space<vmem>>
    %dma_wait3A_46 = tpu.memref_squeeze %dma_wait3A_45 : memref<1x128xi32, #tpu.memory_space<vmem>> -> memref<128xi32, #tpu.memory_space<vmem>>
    %dma_wait3A_47 = arith.constant 0 : i32
    %dma_wait3A_48 = arith.constant 0 : i32
    %dma_wait3A_49 = tpu.memref_slice %arg3[%dma_wait3A_47, %dma_wait3A_48] : memref<100000x128xf32, #tpu.memory_space<hbm>> -> memref<100000x128xf32, #tpu.memory_space<hbm>>
    tpu.wait_indirect_dma semaphore(%arg14 : memref<!tpu.dma_semaphore, #tpu.memory_space<semaphore_mem>>) src(%dma_wait3A_49 : memref<100000x128xf32, #tpu.memory_space<hbm>>) dst(%arg7 : memref<128x128xf32, #tpu.memory_space<vmem>>)
    %dma_wait3A_50 = arith.constant 1 : i32
    %dma_wait3A_51 = arith.constant 0 : i32
    %dma_wait3A_52 = tpu.memref_slice %arg6[%dma_wait3A_50, %dma_wait3A_51] : memref<6x128xi32, #tpu.memory_space<vmem>> -> memref<1x128xi32, #tpu.memory_space<vmem>>
    %dma_wait3A_53 = tpu.memref_squeeze %dma_wait3A_52 : memref<1x128xi32, #tpu.memory_space<vmem>> -> memref<128xi32, #tpu.memory_space<vmem>>
    %dma_wait3A_54 = arith.constant 0 : i32
    %dma_wait3A_55 = arith.constant 0 : i32
    %dma_wait3A_56 = tpu.memref_slice %arg4[%dma_wait3A_54, %dma_wait3A_55] : memref<100000x128xf32, #tpu.memory_space<hbm>> -> memref<100000x128xf32, #tpu.memory_space<hbm>>
    tpu.wait_indirect_dma semaphore(%arg14 : memref<!tpu.dma_semaphore, #tpu.memory_space<semaphore_mem>>) src(%dma_wait3A_56 : memref<100000x128xf32, #tpu.memory_space<hbm>>) dst(%arg8 : memref<128x128xf32, #tpu.memory_space<vmem>>)
    %dma_wait3A_57 = arith.constant 2 : i32
    %dma_wait3A_58 = arith.constant 0 : i32
    %dma_wait3A_59 = tpu.memref_slice %arg6[%dma_wait3A_57, %dma_wait3A_58] : memref<6x128xi32, #tpu.memory_space<vmem>> -> memref<1x128xi32, #tpu.memory_space<vmem>>
    %dma_wait3A_60 = tpu.memref_squeeze %dma_wait3A_59 : memref<1x128xi32, #tpu.memory_space<vmem>> -> memref<128xi32, #tpu.memory_space<vmem>>
    %dma_wait3A_61 = arith.constant 0 : i32
    %dma_wait3A_62 = arith.constant 0 : i32
    %dma_wait3A_63 = tpu.memref_slice %arg3[%dma_wait3A_61, %dma_wait3A_62] : memref<100000x128xf32, #tpu.memory_space<hbm>> -> memref<100000x128xf32, #tpu.memory_space<hbm>>
    tpu.wait_indirect_dma semaphore(%arg14 : memref<!tpu.dma_semaphore, #tpu.memory_space<semaphore_mem>>) src(%dma_wait3A_63 : memref<100000x128xf32, #tpu.memory_space<hbm>>) dst(%arg9 : memref<128x128xf32, #tpu.memory_space<vmem>>)
    %dma_wait3A_64 = arith.constant 3 : i32
    %dma_wait3A_65 = arith.constant 0 : i32
    %dma_wait3A_66 = tpu.memref_slice %arg6[%dma_wait3A_64, %dma_wait3A_65] : memref<6x128xi32, #tpu.memory_space<vmem>> -> memref<1x128xi32, #tpu.memory_space<vmem>>
    %dma_wait3A_67 = tpu.memref_squeeze %dma_wait3A_66 : memref<1x128xi32, #tpu.memory_space<vmem>> -> memref<128xi32, #tpu.memory_space<vmem>>
    %dma_wait3A_68 = arith.constant 0 : i32
    %dma_wait3A_69 = arith.constant 0 : i32
    %dma_wait3A_70 = tpu.memref_slice %arg3[%dma_wait3A_68, %dma_wait3A_69] : memref<100000x128xf32, #tpu.memory_space<hbm>> -> memref<100000x128xf32, #tpu.memory_space<hbm>>
    tpu.wait_indirect_dma semaphore(%arg14 : memref<!tpu.dma_semaphore, #tpu.memory_space<semaphore_mem>>) src(%dma_wait3A_70 : memref<100000x128xf32, #tpu.memory_space<hbm>>) dst(%arg10 : memref<128x128xf32, #tpu.memory_space<vmem>>)
    %dma_wait3A_71 = arith.constant 4 : i32
    %dma_wait3A_72 = arith.constant 0 : i32
    %dma_wait3A_73 = tpu.memref_slice %arg6[%dma_wait3A_71, %dma_wait3A_72] : memref<6x128xi32, #tpu.memory_space<vmem>> -> memref<1x128xi32, #tpu.memory_space<vmem>>
    %dma_wait3A_74 = tpu.memref_squeeze %dma_wait3A_73 : memref<1x128xi32, #tpu.memory_space<vmem>> -> memref<128xi32, #tpu.memory_space<vmem>>
    %dma_wait3A_75 = arith.constant 0 : i32
    %dma_wait3A_76 = arith.constant 0 : i32
    %dma_wait3A_77 = tpu.memref_slice %arg4[%dma_wait3A_75, %dma_wait3A_76] : memref<100000x128xf32, #tpu.memory_space<hbm>> -> memref<100000x128xf32, #tpu.memory_space<hbm>>
    tpu.wait_indirect_dma semaphore(%arg14 : memref<!tpu.dma_semaphore, #tpu.memory_space<semaphore_mem>>) src(%dma_wait3A_77 : memref<100000x128xf32, #tpu.memory_space<hbm>>) dst(%arg11 : memref<128x128xf32, #tpu.memory_space<vmem>>)
    %dma_wait3A_78 = arith.constant 5 : i32
    %dma_wait3A_79 = arith.constant 0 : i32
    %dma_wait3A_80 = tpu.memref_slice %arg6[%dma_wait3A_78, %dma_wait3A_79] : memref<6x128xi32, #tpu.memory_space<vmem>> -> memref<1x128xi32, #tpu.memory_space<vmem>>
    %dma_wait3A_81 = tpu.memref_squeeze %dma_wait3A_80 : memref<1x128xi32, #tpu.memory_space<vmem>> -> memref<128xi32, #tpu.memory_space<vmem>>
    %dma_wait3A_82 = arith.constant 0 : i32
    %dma_wait3A_83 = arith.constant 0 : i32
    %dma_wait3A_84 = tpu.memref_slice %arg3[%dma_wait3A_82, %dma_wait3A_83] : memref<100000x128xf32, #tpu.memory_space<hbm>> -> memref<100000x128xf32, #tpu.memory_space<hbm>>
    tpu.wait_indirect_dma semaphore(%arg14 : memref<!tpu.dma_semaphore, #tpu.memory_space<semaphore_mem>>) src(%dma_wait3A_84 : memref<100000x128xf32, #tpu.memory_space<hbm>>) dst(%arg12 : memref<128x128xf32, #tpu.memory_space<vmem>>)
    %iota3A = tpu.iota {dimensions = array<i32: 0>} : vector<16xi32>
    %broadcast_in_dim3A = arith.constant 0.000000e+00 : f32
    %broadcast_in_dim3A_85 = vector.broadcast %broadcast_in_dim3A : f32 to vector<16xf32>
    %broadcast_in_dim3A_86 = arith.constant 1.000000e+00 : f32
    %broadcast_in_dim3A_87 = vector.broadcast %broadcast_in_dim3A_86 : f32 to vector<16xf32>
    %scan3A = arith.constant 0 : i32
    %scan3A_88 = arith.constant 8 : i32
    %scan3A_89 = arith.addi %scan3A, %scan3A_88 : i32
    %scan3A_90 = arith.constant 1 : i32
    %scan3A_91:3 = scf.for %scan3A_98 = %scan3A to %scan3A_89 step %scan3A_90 iter_args(%scan3A_99 = %broadcast_in_dim3A_85, %scan3A_100 = %broadcast_in_dim3A_85, %scan3A_101 = %broadcast_in_dim3A_85) -> (vector<16xf32>, vector<16xf32>, vector<16xf32>)  : i32 {
      %mul3A_102 = arith.constant 16 : i32
      %mul3A_103 = arith.muli %scan3A_98, %mul3A_102 : i32
      %add3A_104 = vector.broadcast %mul3A_103 : i32 to vector<16xi32>
      %add3A_105 = arith.addi %add3A_104, %iota3A : vector<16xi32>
      %scan3A_106 = arith.constant 0 : i32
      %scan3A_107 = arith.constant 128 : i32
      %scan3A_108 = arith.addi %scan3A_106, %scan3A_107 : i32
      %scan3A_109 = arith.constant 1 : i32
      %scan3A_110:8 = scf.for %scan3A_218 = %scan3A_106 to %scan3A_108 step %scan3A_109 iter_args(%scan3A_219 = %broadcast_in_dim3A_85, %scan3A_220 = %broadcast_in_dim3A_85, %scan3A_221 = %broadcast_in_dim3A_85, %scan3A_222 = %broadcast_in_dim3A_85, %scan3A_223 = %broadcast_in_dim3A_85, %scan3A_224 = %broadcast_in_dim3A_85, %scan3A_225 = %broadcast_in_dim3A_85, %scan3A_226 = %broadcast_in_dim3A_85) -> (vector<16xf32>, vector<16xf32>, vector<16xf32>, vector<16xf32>, vector<16xf32>, vector<16xf32>, vector<16xf32>, vector<16xf32>)  : i32 {
        %broadcast_in_dim3A_227 = vector.broadcast %scan3A_218 : i32 to vector<16xi32>
        %gather3A = tpu.vector_load_idx %arg7[%add3A_105, %broadcast_in_dim3A_227] : memref<128x128xf32, #tpu.memory_space<vmem>>[vector<16xi32>, vector<16xi32>], vector<16xf32>,
        %gather3A_228 = tpu.vector_load_idx %arg8[%add3A_105, %broadcast_in_dim3A_227] : memref<128x128xf32, #tpu.memory_space<vmem>>[vector<16xi32>, vector<16xi32>], vector<16xf32>,
        %gather3A_229 = tpu.vector_load_idx %arg9[%add3A_105, %broadcast_in_dim3A_227] : memref<128x128xf32, #tpu.memory_space<vmem>>[vector<16xi32>, vector<16xi32>], vector<16xf32>,
        %gather3A_230 = tpu.vector_load_idx %arg10[%add3A_105, %broadcast_in_dim3A_227] : memref<128x128xf32, #tpu.memory_space<vmem>>[vector<16xi32>, vector<16xi32>], vector<16xf32>,
        %gather3A_231 = tpu.vector_load_idx %arg11[%add3A_105, %broadcast_in_dim3A_227] : memref<128x128xf32, #tpu.memory_space<vmem>>[vector<16xi32>, vector<16xi32>], vector<16xf32>,
        %gather3A_232 = tpu.vector_load_idx %arg12[%add3A_105, %broadcast_in_dim3A_227] : memref<128x128xf32, #tpu.memory_space<vmem>>[vector<16xi32>, vector<16xi32>], vector<16xf32>,
        %add3A_233 = arith.addf %gather3A, %gather3A_228 : vector<16xf32>
        %sub3A_234 = arith.subf %add3A_233, %gather3A_229 : vector<16xf32>
        %add3A_235 = arith.addf %gather3A_230, %gather3A_231 : vector<16xf32>
        %sub3A_236 = arith.subf %add3A_235, %gather3A_232 : vector<16xf32>
        %mul3A_237 = arith.mulf %sub3A_234, %sub3A_234 : vector<16xf32>
        %add3A_238 = arith.addf %scan3A_219, %mul3A_237 : vector<16xf32>
        %mul3A_239 = arith.mulf %sub3A_236, %sub3A_236 : vector<16xf32>
        %add3A_240 = arith.addf %scan3A_220, %mul3A_239 : vector<16xf32>
        %mul3A_241 = arith.mulf %gather3A, %gather3A : vector<16xf32>
        %add3A_242 = arith.addf %scan3A_221, %mul3A_241 : vector<16xf32>
        %mul3A_243 = arith.mulf %gather3A_229, %gather3A_229 : vector<16xf32>
        %add3A_244 = arith.addf %scan3A_222, %mul3A_243 : vector<16xf32>
        %mul3A_245 = arith.mulf %gather3A_228, %gather3A_228 : vector<16xf32>
        %add3A_246 = arith.addf %scan3A_223, %mul3A_245 : vector<16xf32>
        %mul3A_247 = arith.mulf %gather3A_230, %gather3A_230 : vector<16xf32>
        %add3A_248 = arith.addf %scan3A_224, %mul3A_247 : vector<16xf32>
        %mul3A_249 = arith.mulf %gather3A_232, %gather3A_232 : vector<16xf32>
        %add3A_250 = arith.addf %scan3A_225, %mul3A_249 : vector<16xf32>
        %mul3A_251 = arith.mulf %gather3A_231, %gather3A_231 : vector<16xf32>
        %add3A_252 = arith.addf %scan3A_226, %mul3A_251 : vector<16xf32>
        scf.yield %add3A_238, %add3A_240, %add3A_242, %add3A_244, %add3A_246, %add3A_248, %add3A_250, %add3A_252 : vector<16xf32>, vector<16xf32>, vector<16xf32>, vector<16xf32>, vector<16xf32>, vector<16xf32>, vector<16xf32>, vector<16xf32>
      }
      %scan3A_111 = arith.constant 128 : i32
      %bitcast_convert_type3A = tpu.bitcast %scan3A_110#0 : vector<16xf32> -> vector<16xi32>
      %shift_right_arithmetic3A = arith.constant 1 : i32
      %shift_right_arithmetic3A_112 = vector.broadcast %shift_right_arithmetic3A : i32 to vector<16xi32>
      %shift_right_arithmetic3A_113 = arith.shrsi %bitcast_convert_type3A, %shift_right_arithmetic3A_112 : vector<16xi32>
      %sub3A = arith.constant 1597463007 : i32
      %sub3A_114 = vector.broadcast %sub3A : i32 to vector<16xi32>
      %sub3A_115 = arith.subi %sub3A_114, %shift_right_arithmetic3A_113 : vector<16xi32>
      %bitcast_convert_type3A_116 = tpu.bitcast %sub3A_115 : vector<16xi32> -> vector<16xf32>
      %mul3A_117 = arith.constant 5.000000e-01 : f32
      %mul3A_118 = vector.broadcast %mul3A_117 : f32 to vector<16xf32>
      %mul3A_119 = arith.mulf %mul3A_118, %scan3A_110#0 : vector<16xf32>
      %mul3A_120 = arith.mulf %mul3A_119, %bitcast_convert_type3A_116 : vector<16xf32>
      %mul3A_121 = arith.mulf %mul3A_120, %bitcast_convert_type3A_116 : vector<16xf32>
      %sub3A_122 = arith.constant 1.500000e+00 : f32
      %sub3A_123 = vector.broadcast %sub3A_122 : f32 to vector<16xf32>
      %sub3A_124 = arith.subf %sub3A_123, %mul3A_121 : vector<16xf32>
      %mul3A_125 = arith.mulf %bitcast_convert_type3A_116, %sub3A_124 : vector<16xf32>
      %mul3A_126 = arith.constant 5.000000e-01 : f32
      %mul3A_127 = vector.broadcast %mul3A_126 : f32 to vector<16xf32>
      %mul3A_128 = arith.mulf %mul3A_127, %scan3A_110#0 : vector<16xf32>
      %mul3A_129 = arith.mulf %mul3A_128, %mul3A_125 : vector<16xf32>
      %mul3A_130 = arith.mulf %mul3A_129, %mul3A_125 : vector<16xf32>
      %sub3A_131 = arith.constant 1.500000e+00 : f32
      %sub3A_132 = vector.broadcast %sub3A_131 : f32 to vector<16xf32>
      %sub3A_133 = arith.subf %sub3A_132, %mul3A_130 : vector<16xf32>
      %mul3A_134 = arith.mulf %mul3A_125, %sub3A_133 : vector<16xf32>
      %mul3A_135 = arith.constant 5.000000e-01 : f32
      %mul3A_136 = vector.broadcast %mul3A_135 : f32 to vector<16xf32>
      %mul3A_137 = arith.mulf %mul3A_136, %scan3A_110#0 : vector<16xf32>
      %mul3A_138 = arith.mulf %mul3A_137, %mul3A_134 : vector<16xf32>
      %mul3A_139 = arith.mulf %mul3A_138, %mul3A_134 : vector<16xf32>
      %sub3A_140 = arith.constant 1.500000e+00 : f32
      %sub3A_141 = vector.broadcast %sub3A_140 : f32 to vector<16xf32>
      %sub3A_142 = arith.subf %sub3A_141, %mul3A_139 : vector<16xf32>
      %mul3A_143 = arith.mulf %mul3A_134, %sub3A_142 : vector<16xf32>
      %mul3A_144 = arith.mulf %scan3A_110#0, %mul3A_143 : vector<16xf32>
      %bitcast_convert_type3A_145 = tpu.bitcast %scan3A_110#1 : vector<16xf32> -> vector<16xi32>
      %shift_right_arithmetic3A_146 = arith.constant 1 : i32
      %shift_right_arithmetic3A_147 = vector.broadcast %shift_right_arithmetic3A_146 : i32 to vector<16xi32>
      %shift_right_arithmetic3A_148 = arith.shrsi %bitcast_convert_type3A_145, %shift_right_arithmetic3A_147 : vector<16xi32>
      %sub3A_149 = arith.constant 1597463007 : i32
      %sub3A_150 = vector.broadcast %sub3A_149 : i32 to vector<16xi32>
      %sub3A_151 = arith.subi %sub3A_150, %shift_right_arithmetic3A_148 : vector<16xi32>
      %bitcast_convert_type3A_152 = tpu.bitcast %sub3A_151 : vector<16xi32> -> vector<16xf32>
      %mul3A_153 = arith.constant 5.000000e-01 : f32
      %mul3A_154 = vector.broadcast %mul3A_153 : f32 to vector<16xf32>
      %mul3A_155 = arith.mulf %mul3A_154, %scan3A_110#1 : vector<16xf32>
      %mul3A_156 = arith.mulf %mul3A_155, %bitcast_convert_type3A_152 : vector<16xf32>
      %mul3A_157 = arith.mulf %mul3A_156, %bitcast_convert_type3A_152 : vector<16xf32>
      %sub3A_158 = arith.constant 1.500000e+00 : f32
      %sub3A_159 = vector.broadcast %sub3A_158 : f32 to vector<16xf32>
      %sub3A_160 = arith.subf %sub3A_159, %mul3A_157 : vector<16xf32>
      %mul3A_161 = arith.mulf %bitcast_convert_type3A_152, %sub3A_160 : vector<16xf32>
      %mul3A_162 = arith.constant 5.000000e-01 : f32
      %mul3A_163 = vector.broadcast %mul3A_162 : f32 to vector<16xf32>
      %mul3A_164 = arith.mulf %mul3A_163, %scan3A_110#1 : vector<16xf32>
      %mul3A_165 = arith.mulf %mul3A_164, %mul3A_161 : vector<16xf32>
      %mul3A_166 = arith.mulf %mul3A_165, %mul3A_161 : vector<16xf32>
      %sub3A_167 = arith.constant 1.500000e+00 : f32
      %sub3A_168 = vector.broadcast %sub3A_167 : f32 to vector<16xf32>
      %sub3A_169 = arith.subf %sub3A_168, %mul3A_166 : vector<16xf32>
      %mul3A_170 = arith.mulf %mul3A_161, %sub3A_169 : vector<16xf32>
      %mul3A_171 = arith.constant 5.000000e-01 : f32
      %mul3A_172 = vector.broadcast %mul3A_171 : f32 to vector<16xf32>
      %mul3A_173 = arith.mulf %mul3A_172, %scan3A_110#1 : vector<16xf32>
      %mul3A_174 = arith.mulf %mul3A_173, %mul3A_170 : vector<16xf32>
      %mul3A_175 = arith.mulf %mul3A_174, %mul3A_170 : vector<16xf32>
      %sub3A_176 = arith.constant 1.500000e+00 : f32
      %sub3A_177 = vector.broadcast %sub3A_176 : f32 to vector<16xf32>
      %sub3A_178 = arith.subf %sub3A_177, %mul3A_175 : vector<16xf32>
      %mul3A_179 = arith.mulf %mul3A_170, %sub3A_178 : vector<16xf32>
      %mul3A_180 = arith.mulf %scan3A_110#1, %mul3A_179 : vector<16xf32>
      %sub3A_181 = arith.subf %mul3A_144, %mul3A_180 : vector<16xf32>
      %add3A_182 = arith.constant 1.000000e+00 : f32
      %add3A_183 = vector.broadcast %add3A_182 : f32 to vector<16xf32>
      %add3A_184 = arith.addf %sub3A_181, %add3A_183 : vector<16xf32>
      %max3A = arith.constant 0.000000e+00 : f32
      %max3A_185 = vector.broadcast %max3A : f32 to vector<16xf32>
      %max3A_186 = arith.maximumf %add3A_184, %max3A_185 : vector<16xf32>
      %add3A_187 = arith.addf %scan3A_99, %max3A_186 : vector<16xf32>
      %sub3A_188 = arith.subf %scan3A_110#2, %broadcast_in_dim3A_87 : vector<16xf32>
      %max3A_189 = arith.constant 0.000000e+00 : f32
      %max3A_190 = vector.broadcast %max3A_189 : f32 to vector<16xf32>
      %max3A_191 = arith.maximumf %sub3A_188, %max3A_190 : vector<16xf32>
      %add3A_192 = arith.addf %scan3A_100, %max3A_191 : vector<16xf32>
      %sub3A_193 = arith.subf %scan3A_110#3, %broadcast_in_dim3A_87 : vector<16xf32>
      %max3A_194 = arith.constant 0.000000e+00 : f32
      %max3A_195 = vector.broadcast %max3A_194 : f32 to vector<16xf32>
      %max3A_196 = arith.maximumf %sub3A_193, %max3A_195 : vector<16xf32>
      %add3A_197 = arith.addf %add3A_192, %max3A_196 : vector<16xf32>
      %sub3A_198 = arith.subf %scan3A_110#5, %broadcast_in_dim3A_87 : vector<16xf32>
      %max3A_199 = arith.constant 0.000000e+00 : f32
      %max3A_200 = vector.broadcast %max3A_199 : f32 to vector<16xf32>
      %max3A_201 = arith.maximumf %sub3A_198, %max3A_200 : vector<16xf32>
      %add3A_202 = arith.addf %add3A_197, %max3A_201 : vector<16xf32>
      %sub3A_203 = arith.subf %scan3A_110#6, %broadcast_in_dim3A_87 : vector<16xf32>
      %max3A_204 = arith.constant 0.000000e+00 : f32
      %max3A_205 = vector.broadcast %max3A_204 : f32 to vector<16xf32>
      %max3A_206 = arith.maximumf %sub3A_203, %max3A_205 : vector<16xf32>
      %add3A_207 = arith.addf %add3A_202, %max3A_206 : vector<16xf32>
      %sub3A_208 = arith.subf %scan3A_110#4, %broadcast_in_dim3A_87 : vector<16xf32>
      %max3A_209 = arith.constant 0.000000e+00 : f32
      %max3A_210 = vector.broadcast %max3A_209 : f32 to vector<16xf32>
      %max3A_211 = arith.maximumf %sub3A_208, %max3A_210 : vector<16xf32>
      %add3A_212 = arith.addf %scan3A_101, %max3A_211 : vector<16xf32>
      %sub3A_213 = arith.subf %scan3A_110#7, %broadcast_in_dim3A_87 : vector<16xf32>
      %max3A_214 = arith.constant 0.000000e+00 : f32
      %max3A_215 = vector.broadcast %max3A_214 : f32 to vector<16xf32>
      %max3A_216 = arith.maximumf %sub3A_213, %max3A_215 : vector<16xf32>
      %add3A_217 = arith.addf %add3A_212, %max3A_216 : vector<16xf32>
      scf.yield %add3A_187, %add3A_207, %add3A_217 : vector<16xf32>, vector<16xf32>, vector<16xf32>
    }
    %scan3A_92 = arith.constant 8 : i32
    %swap3A = arith.constant 0 : index
    %swap3A_93 = tpu.vector_load %arg13[%swap3A] {strides = array<i32>} : memref<48xf32, #tpu.memory_space<vmem>>, vector<16xf32>,
    tpu.vector_store %arg13[%swap3A], %scan3A_91#0 {strides = array<i32>} : memref<48xf32, #tpu.memory_space<vmem>>, vector<16xf32>,
    %swap3A_94 = arith.constant 16 : index
    %swap3A_95 = tpu.vector_load %arg13[%swap3A_94] {strides = array<i32>} : memref<48xf32, #tpu.memory_space<vmem>>, vector<16xf32>,
    tpu.vector_store %arg13[%swap3A_94], %scan3A_91#1 {strides = array<i32>} : memref<48xf32, #tpu.memory_space<vmem>>, vector<16xf32>,
    %swap3A_96 = arith.constant 32 : index
    %swap3A_97 = tpu.vector_load %arg13[%swap3A_96] {strides = array<i32>} : memref<48xf32, #tpu.memory_space<vmem>>, vector<16xf32>,
    tpu.vector_store %arg13[%swap3A_96], %scan3A_91#2 {strides = array<i32>} : memref<48xf32, #tpu.memory_space<vmem>>, vector<16xf32>,
    "tpu.region"() ({
      %run_scoped3A = tpu.sem_alloc : memref<!tpu.dma_semaphore, #tpu.memory_space<semaphore_mem>>
      %dma_start3A_98 = arith.constant 0 : i32
      %dma_start3A_99 = tpu.memref_slice %arg5[%add3A, %dma_start3A_98] : memref<32x48xf32, #tpu.memory_space<hbm>> -> memref<1x48xf32, #tpu.memory_space<hbm>>
      %dma_start3A_100 = tpu.memref_squeeze %dma_start3A_99 : memref<1x48xf32, #tpu.memory_space<hbm>> -> memref<48xf32, #tpu.memory_space<hbm>>
      %dma_start3A_101 = arith.constant 0 : i32
      %dma_start3A_102 = tpu.memref_slice %arg5[%add3A, %dma_start3A_101] : memref<32x48xf32, #tpu.memory_space<hbm>> -> memref<1x48xf32, #tpu.memory_space<hbm>>
      %dma_start3A_103 = tpu.memref_squeeze %dma_start3A_102 : memref<1x48xf32, #tpu.memory_space<hbm>> -> memref<48xf32, #tpu.memory_space<hbm>>
      tpu.enqueue_dma source(%arg13 : memref<48xf32, #tpu.memory_space<vmem>>) target(%dma_start3A_103 : memref<48xf32, #tpu.memory_space<hbm>>) target_semaphore(%run_scoped3A : memref<!tpu.dma_semaphore, #tpu.memory_space<semaphore_mem>>)
      %dma_wait3A_104 = arith.constant 0 : i32
      %dma_wait3A_105 = tpu.memref_slice %arg5[%add3A, %dma_wait3A_104] : memref<32x48xf32, #tpu.memory_space<hbm>> -> memref<1x48xf32, #tpu.memory_space<hbm>>
      %dma_wait3A_106 = tpu.memref_squeeze %dma_wait3A_105 : memref<1x48xf32, #tpu.memory_space<hbm>> -> memref<48xf32, #tpu.memory_space<hbm>>
      %dma_wait3A_107 = arith.constant 0 : i32
      %dma_wait3A_108 = tpu.memref_slice %arg5[%add3A, %dma_wait3A_107] : memref<32x48xf32, #tpu.memory_space<hbm>> -> memref<1x48xf32, #tpu.memory_space<hbm>>
      %dma_wait3A_109 = tpu.memref_squeeze %dma_wait3A_108 : memref<1x48xf32, #tpu.memory_space<hbm>> -> memref<48xf32, #tpu.memory_space<hbm>>
      tpu.wait_dma2 semaphore(%run_scoped3A : memref<!tpu.dma_semaphore, #tpu.memory_space<semaphore_mem>>) src(%arg13 : memref<48xf32, #tpu.memory_space<vmem>>) dst(%dma_wait3A_109 : memref<48xf32, #tpu.memory_space<hbm>>)
      tpu.yield
    }) : () -> ()
    return
  }
}

</mosaic_0001>

<sc_bundles>
// kernel: kernel.3.cloned.1.call-start
scs
__scs_entry_jumppad:
0x0: {  	(pc) =	sbr.rel $0x88, $3  }
0x1: {  	(tag) =	ssettag $0x0;
	lr =	simm.s32 $0x1  }
0x2: {  	[smem:$0x3F9D] =	sst lr;
	_ =	strace $0xD0000000  }
0x3: {  	_ = 	snop  }
0x4: {  	_ = 	snop  }
0x5: {  	_ = 	snop  }
0x6: {  	_ = 	snop  }
0x7: {  	_ = 	snop  }
__scs_overlays_trampoline_lowered:
0x8: {  	[smem:$0x3FAC] =	sst s0  }
0x9: {  	[smem:$0x3FAD] =	sst s1  }
0xa: {  	[smem:$0x3FAE] =	sst s2  }
0xb: {  	[smem:$0x3FAF] =	sst s3  }
0xc: {  	[smem:$0x3FB0] =	sst s4  }
0xd: {  	[smem:$0x3FB1] =	sst s5  }
0xe: {  	[smem:$0x3FB2] =	sst s6  }
0xf: {  	[smem:$0x3FB3] =	sst s7  }
0x10: {  	[smem:$0x3FB4] =	sst s8  }
0x11: {  	[smem:$0x3FB5] =	sst s9;
	s0 =	simm.s32 @!p0 $0x0  }
0x12: {  	s1 =	sld [smem:$0x3F9B];
	s0 =	simm.s32 @p0 $0x1  }
0x13: {  	[smem:$0x3FB6] =	sst s0;
	s0 =	simm.s32 @!p1 $0x0  }
0x14: {  	s2 =	sld [smem:$0x3F9A];
	s0 =	simm.s32 @p1 $0x1  }
0x15: {  	[smem:$0x3FB7] =	sst s0;
	s0 =	simm.s32 @!p2 $0x0  }
0x16: {  	s3 =	sld [smem:$0x3FDB];
	s0 =	simm.s32 @p2 $0x1  }
0x17: {  	s4 =	simm.s32 $0x1BF5;
	[smem:$0x3FB9] =	sst s0  }
0x18: {  	s0 =	sld [smem:$0x3F9C];
	_ =	swait.ge [sflag:s4], $0x0  }
0x19: {  	s7 =	sld [smem:$0x3F9D]  }
0x1a: {  	s8 =	sadd.s32 $0xFFFFE003, lr  }
0x1b: {  	s9 =	sadd.s32 $0xFFFFFEF7, lr;
	s5 =	simm.s32 $0xFFFFFFFF;
	p2 =	slt.u32 s8, $0xFFFFF086  }
0x1c: {  	p1 =	slt.u32 s9, $0xF7A;
	s5 =	simm.s32 @!p2 $0x0  }
0x1d: {  	s5 =	simm.s32 @p1 $0x1;
	p0 =	seq.s32 s7, s2  }
0x1e: {  	s7 =	smul.u32 @!p0 $0xF7A, s2;
	p2 =	seq.s32 @!p0 s5, $0x0  }
0x1f: {  	s9 =	smul.u32 $0xF7A, s1;
	s8 =	simm.s32 @!p0 $0x1BF5;
	p2 =	por !p2, p0  }
0x20: {  	[sflag:s8] =	ssyncset.s32 @!p0 $0xFFFFF086;
	s6 =	sadd.s32 @!p0 s3, s7;
	s7 =	simm.s32 @!p0 $0x108  }
0x21: {  	s3 =	sadd.s32 s3, s9;
	s6 =	sadd.s32 @!p0 $0x88, s6;
	s7 =	simm.s32 @p2 $0x1082  }
0x22: {  	[simem:s7], [sflag:s8] =	dma.local @!p0 [hbm:s6], $0xF7A  }
0x23: {  	s9 =	sor.u32 $0xD0000000, s2;
	s6 =	simm.s32 $0x108;
	_ =	swait.ge @!p0 [sflag:s8], $0x0  }
0x24: {  	s3 =	sadd.s32 $0x88, s3;
	s6 =	simm.s32 @!p1 $0x1082;
	[sflag:s4] =	ssyncset.s32 $0xFFFFF086  }
0x25: {  	[simem:s6], [sflag:s4] =	dma.local [hbm:s3], $0xF7A  }
0x26: {  	[smem:$0x3F9D] =	sst s1;
	(tag) =	ssettag s2;
	_ =	strace s9  }
0x27: {  	s1 =	sld [smem:$0x3FAD]  }
0x28: {  	s2 =	sld [smem:$0x3FAE]  }
0x29: {  	s4 =	sld [smem:$0x3FB0]  }
0x2a: {  	p0 =	seq.s32 s5, $0x0;
	s5 =	sld [smem:$0x3FB1]  }
0x2b: {  	s6 =	sld [smem:$0x3FB2]  }
0x2c: {  	s7 =	sld [smem:$0x3FB3]  }
0x2d: {  	s3 =	simm.s32 $0x108;
	s8 =	sld [smem:$0x3FB4]  }
0x2e: {  	s3 =	simm.s32 @!p0 $0x1082;
	s9 =	sld [smem:$0x3FB5]  }
0x2f: {  	lr =	sadd.s32 s0, s3;
	s0 =	sld [smem:$0x3FAC]  }
0x30: {  	s3 =	sld [smem:$0x3FAF]  }
0x31: {  	[smem:$0x3FB8] =	sst s10  }
0x32: {  	s10 =	sld [smem:$0x3FB6];
	_ =	sdelay $0x3  }
0x33: {  	p0 =	seq.s32 s10, $0x1;
	s10 =	sld [smem:$0x3FB8];
	_ =	sdelay $0x3  }
0x34: {  	[smem:$0x3FB8] =	sst s10  }
0x35: {  	s10 =	sld [smem:$0x3FB7];
	_ =	sdelay $0x3  }
0x36: {  	p1 =	seq.s32 s10, $0x1;
	s10 =	sld [smem:$0x3FB8];
	_ =	sdelay $0x3  }
0x37: {  	[smem:$0x3FB8] =	sst s10  }
0x38: {  	s10 =	sld [smem:$0x3FB9]  }
0x39: {  	_ = 	snop;
	(pc) =	sbr.ind lr, $3  }
0x3a: {  	_ = 	snop  }
0x3b: {  	_ = 	snop  }
0x3c: {  	p2 =	seq.s32 s10, $0x1;
	s10 =	sld [smem:$0x3FB8]  }
0x3d: {  	_ =	shalt  }
0x3e: {  	_ =	shalt  }
0x3f: {  	_ =	shalt  }
0x40: {  	_ =	shalt  }
0x41: {  	_ =	shalt  }
0x42: {  	_ =	shalt  }
0x43: {  	_ =	shalt  }
0x44: {  	_ =	shalt  }
0x45: {  	_ =	shalt  }
0x46: {  	_ =	shalt  }
0x47: {  	_ =	shalt  }
0x48: {  	_ =	shalt  }
0x49: {  	_ =	shalt  }
0x4a: {  	_ =	shalt  }
0x4b: {  	_ =	shalt  }
0x4c: {  	_ =	shalt  }
0x4d: {  	_ =	shalt  }
0x4e: {  	_ =	shalt  }
0x4f: {  	_ =	shalt  }
0x50: {  	_ =	shalt  }
0x51: {  	_ =	shalt  }
0x52: {  	_ =	shalt  }
0x53: {  	_ =	shalt  }
0x54: {  	_ =	shalt  }
0x55: {  	_ =	shalt  }
0x56: {  	_ =	shalt  }
0x57: {  	_ =	shalt  }
0x58: {  	_ =	shalt  }
0x59: {  	_ =	shalt  }
0x5a: {  	_ =	shalt  }
0x5b: {  	_ =	shalt  }
0x5c: {  	_ =	shalt  }
0x5d: {  	_ =	shalt  }
0x5e: {  	_ =	shalt  }
0x5f: {  	_ =	shalt  }
0x60: {  	_ =	shalt  }
0x61: {  	_ =	shalt  }
0x62: {  	_ =	shalt  }
0x63: {  	_ =	shalt  }
0x64: {  	_ =	shalt  }
0x65: {  	_ =	shalt  }
0x66: {  	_ =	shalt  }
0x67: {  	_ =	shalt  }
0x68: {  	_ =	shalt  }
0x69: {  	_ =	shalt  }
0x6a: {  	_ =	shalt  }
0x6b: {  	_ =	shalt  }
0x6c: {  	_ =	shalt  }
0x6d: {  	_ =	shalt  }
0x6e: {  	_ =	shalt  }
0x6f: {  	_ =	shalt  }
0x70: {  	_ =	shalt  }
0x71: {  	_ =	shalt  }
0x72: {  	_ =	shalt  }
0x73: {  	_ =	shalt  }
0x74: {  	_ =	shalt  }
0x75: {  	_ =	shalt  }
0x76: {  	_ =	shalt  }
0x77: {  	_ =	shalt  }
0x78: {  	_ =	shalt  }
0x79: {  	_ =	shalt  }
0x7a: {  	_ =	shalt  }
0x7b: {  	_ =	shalt  }
0x7c: {  	_ =	shalt  }
0x7d: {  	_ =	shalt  }
0x7e: {  	_ =	shalt  }
0x7f: {  	_ =	shalt  }
0x80: {  	_ =	shalt  }
0x81: {  	_ =	shalt  }
0x82: {  	_ =	shalt  }
0x83: {  	_ =	shalt  }
0x84: {  	_ =	shalt  }
0x85: {  	_ =	shalt  }
0x86: {  	_ =	shalt  }
0x87: {  	_ =	shalt  }
.Lfunc_end0:
.L_simem_size_0:
called_computation_lowered:
.L_overlay_start_0:
0x88: {  	s2 =	sld [smem:$0x3FD9]  }
0x89: {  	s3 =	sld [smem:$0x3FFE];
	_ =	sdelay $0x1  }
0x8a: {  	s1 =	srdreg.scid  }
0x8b: {  	s0 =	sand.u32 $0x1, s1  }
0x8c: {  	s17 =	sshll.u32 s0, $0xA;
	s2 =	sadd.s32 s3, s2  }
0x8d: {  	s2 =	sadd.s32 s2, s17  }
0x8e: {  	[smem:$0x3FC4] =	sst s2  }
0x8f: {  	_ = 	snop  }
0x90: {  	s2 =	sld [smem:$0x3FC7]  }
0x91: {  	s18 =	sld [smem:$0x3FC6];
	(tm) =	ssettm $0x1  }
0x92: {  	s4 =	sld [smem:$0x3FFB];
	_ =	sdelay $0x3  }
0x93: {  	_ =	strace s4  }
0x94: {  	s4 =	sld [smem:$0x3FFC];
	_ =	sdelay $0x3  }
0x95: {  	_ =	strace s4  }
0x96: {  	s4 =	sld [smem:$0x3FFD];
	_ =	sdelay $0x3  }
0x97: {  	_ =	strace s4  }
0x98: {  	_ =	strace $0x8FFFFFFF  }
0x99: {  	s19 =	sld [smem:$0x3FDB];
	_ =	sdelay $0x1  }
0x9a: {  	s5 =	simm.s32 $_scs_section_size  }
0x9b: {  	s6 =	simm.s32 $_size__tile_overlayer_lowered;
	s7 =	simm.s32 $_tile_overlayer_lowered  }
0x9c: {  	s22 =	simm.s32 $0x1BFF;
	s21 =	sshll.u32 s7, $0x1;
	s4 =	sadd.s32 s5, s19  }
0x9d: {  	s8 =	simm.s32 $0x0;
	s20 =	sshll.u32 s6, $0x1;
	s6 =	sadd.s32 s21, s4  }
0x9e: {  	[timem:s8], [sflag:s22] =	dma.local [hbm:s6], s20  }
0x9f: {  	_ =	swait.ge [sflag:s22], s20  }
0xa0: {  	s5 =	ssub.s32 $0x0, s20;
	[sflag:s22] =	ssyncset.done $0x0  }
0xa1: {  	[sflag:s22] =	ssyncadd.s32 s5;
	_ =	sdelay $0x1  }
0xa2: {  	s23 =	simm.s32 $0x1B8B  }
0xa3: {  	_ =	swait.ge [sflag:s23], $0x1  }
0xa4: {  	[sflag:s23] =	ssyncset.done $0x0  }
0xa5: {  	s25 =	simm.s32 $0x1B8E;
	s24 =	sld [smem:$0x3FFE];
	[sflag:s23] =	ssyncadd.s32 $0xFFFFFFFF  }
0xa6: {  	s26 =	simm.s32 $execute0_lowered;
	[smem:$0x3FD2] =	sst s25  }
0xa7: {  	s6 =	sshll.u32 s26, $0x1;
	_ =	strace $0x80000046;
	[dreg:$0x1] =	wrdreg $0xFFFFFFFF  }
0xa8: {  	s28 =	simm.s32 $_size_execute0_lowered;
	s4 =	sadd.s32 s4, s6;
	[dreg:$0x0] =	wrdreg $0x0  }
0xa9: {  	s6 =	sshll.u32 s28, $0x1;
	[dreg:$0x2] =	wrdreg s4  }
0xaa: {  	[dreg:$0x3] =	wrdreg s6  }
0xab: {  	[dreg:$0x4] =	wrdreg $0xC0  }
0xac: {  	_ =	task [dreg:s8], $0x5FFFF  }
0xad: {  	[dreg:$0x1] =	wrdreg $0xFFFFFFFF  }
0xae: {  	[dreg:$0x0] =	wrdreg $0x60  }
0xaf: {  	[dreg:$0x2] =	wrdreg s24  }
0xb0: {  	[dreg:$0x3] =	wrdreg s2  }
0xb1: {  	[dreg:$0x4] =	wrdreg s18  }
0xb2: {  	[dreg:$0x5] =	wrdreg $0x9  }
0xb3: {  	_ =	task.clear_ibuf [dreg:s8], $0x6FFFF;
	_ =	strace $0x90000046  }
0xb4: {  	s29 =	simm.s32 $0x9;
	_ =	strace $0x80000048  }
0xb5: {  	_ =	swait.ge [sflag:s29], $0x1  }
0xb6: {  	[sflag:s29] =	ssyncadd.s32 $0xFFFFFFFF  }
0xb7: {  	_ =	strace $0x90000048  }
0xb8: {  	_ =	sfence  }
0xb9: {  	s30 =	sld [smem:$0x0];
	_ =	sdelay $0x2  }
0xba: {  	s31 =	sshll.u32 s1, $0xD;
	s1 =	sshrl.u32 s1, $0x2  }
0xbb: {  	s3 =	sand.u32 $0x4000, s31;
	s1 =	sadd.s32 s1, s30  }
0xbc: {  	s0 =	sor.u32 s3, s0;
	s1 =	sshll.u32 s1, $0x11  }
0xbd: {  	s0 =	sor.u32 s1, s0  }
0xbe: {  	s0 =	sadd.s32 $0x8F2B, s0  }
0xbf: {  	[sflag:s0] =	ssyncadd.remote.s32 $0x1  }
0xc0: {  	_ =	sfence.sel $0xFFFF  }
0xc1: {  	[dreg:$0x0] =	wrdreg $0xFFFFFFFF;
	(pc) =	sbr.abs _section_cstart, $3  }
0xc2: {  	[dreg:$0x1] =	wrdreg $0xFFFFFFFF  }
0xc3: {  	_ =	task.clear_ibuf [dreg:s8], $0x2FFFF;
	_ =	strace $0x9FFFFFFF  }
0xc4: {  	(tm) =	ssettm $0x7FFFFFFF  }
0xc5: {  	_ =	shalt  }
tec
execute0_lowered:
.L_overlay_start_1:
0x0: {  	(tag) =	ssettag $0x1  }
0x1: {  	s5 =	rddreg [dreg:$0x0]  }
0x2: {  	s2 =	rddreg [dreg:$0x1]  }
0x3: {  	s3 =	rddreg [dreg:$0x2];
	s4 =	srdreg.scid  }
0x4: {  	s0 =	rddreg [dreg:$0x3];
	s1 =	stileid.u32;
	s10 =	simm.s32 $0x2  }
0x5: {  	s11 =	simm.s32 $0x80;
	s12 =	simm.s32 $0x4400;
	s13 =	simm.s32 $0x100  }
0x6: {  	s14 =	simm.s32 $0x8400;
	s15 =	simm.s32 $0x180;
	s16 =	simm.s32 $0xC400  }
0x7: {  	s17 =	simm.s32 $0x200;
	s18 =	simm.s32 $0x10400;
	s19 =	simm.s32 $0x280  }
0x8: {  	s20 =	simm.s32 $0x14400;
	s21 =	simm.s32 $0x1;
	s22 =	simm.s32 $0x18400  }
0x9: {  	s23 =	simm.s32 $0x0;
	s6 =	sand.u32 $0x1, s4;
	s4 =	simm.s32 $0x0  }
0xa: {  	s7 =	sshll.u32 s1, $0x8;
	s8 =	sshll.u32 s6, $0x7;
	s6 =	ssub.s32 $0x2, s6  }
0xb: {  	[smem:$0x7FF] =	sst s4;
	s7 =	sor.u32 s8, s7;
	s9 =	sshrl.u32 s6, $0x1  }
0xc: {  	_ =	strace $0x80000047;
	s8 =	sshrl.u32 s7, $0x3;
	s9 =	ssub.s32 s6, s9  }
0xd: {  	v0 =	vlaneseq.u32;
	s8 =	sadd.s32 s8, s5;
	s5 =	sadd.s32 s5, s7;
	s7 =	smax.u32 s9, $0x1  }
0xe: {  	v1 =	vimm.f32 $0.0e+00;
	v0 =	vmul.u32 $0x80, v0;
	s9 =	simm.s32 $0x8000;
	s6 =	sadd.s32 $0x1000, s8;
	s8 =	simm.s32 $0x400  }
.LBB2_1:
0xf: {  	[tilespmem:s4], [sflag:$0x2] =	stream.strided.gather [hbm4b:s5+s8], $0x0, s9, s8, $0x38;
	[tilespmem:$0x18480] =	vst v63  }
0x10: {  	_ = 	snop  }
0x11: {  	[tilespmem:s4], [sflag:$0x2] =	stream.linear.gather [hbm4b:s5+s4], $0x300, $0x38;
	[tilespmem:$0x18480] =	vst v63  }
0x12: {  	_ =	swait.ge [sflag:s10], $0x300  }
0x13: {  	[sflag:s10] =	ssyncset.done $0x0  }
0x14: {  	[sflag:s10] =	ssyncadd.s32 $0xFFFFFD00  }
0x15: {  	[tilespmem:s8], [sflag:$0x1] =	stream.indirect.gather [hbm4b:s2+s11], $0x80, s4, s11, $0xb8;
	[tilespmem:$0x18480] =	vst v63  }
0x16: {  	_ = 	snop  }
0x17: {  	[tilespmem:s12], [sflag:$0x1] =	stream.indirect.gather [hbm4b:s3+s11], $0x80, s11, s11, $0xb8;
	[tilespmem:$0x18480] =	vst v63  }
0x18: {  	_ = 	snop  }
0x19: {  	[tilespmem:s14], [sflag:$0x1] =	stream.indirect.gather [hbm4b:s2+s11], $0x80, s13, s11, $0xb8;
	[tilespmem:$0x18480] =	vst v63  }
0x1a: {  	_ = 	snop  }
0x1b: {  	[tilespmem:s16], [sflag:$0x1] =	stream.indirect.gather [hbm4b:s2+s11], $0x80, s15, s11, $0xb8;
	[tilespmem:$0x18480] =	vst v63  }
0x1c: {  	_ = 	snop  }
0x1d: {  	[tilespmem:s18], [sflag:$0x1] =	stream.indirect.gather [hbm4b:s3+s11], $0x80, s17, s11, $0xb8;
	[tilespmem:$0x18480] =	vst v63  }
0x1e: {  	_ = 	snop  }
0x1f: {  	[tilespmem:s20], [sflag:$0x1] =	stream.indirect.gather [hbm4b:s2+s11], $0x80, s19, s11, $0xb8;
	[tilespmem:$0x18480] =	vst v63  }
0x20: {  	_ =	swait.ge [sflag:s21], $0x4000  }
0x21: {  	[sflag:s21] =	ssyncset.done $0x0  }
0x22: {  	[sflag:s21] =	ssyncadd.s32 $0xFFFFC000  }
0x23: {  	_ =	swait.ge [sflag:s21], $0x4000  }
0x24: {  	[sflag:s21] =	ssyncset.done $0x0  }
0x25: {  	[sflag:s21] =	ssyncadd.s32 $0xFFFFC000  }
0x26: {  	_ =	swait.ge [sflag:s21], $0x4000  }
0x27: {  	[sflag:s21] =	ssyncset.done $0x0  }
0x28: {  	[sflag:s21] =	ssyncadd.s32 $0xFFFFC000  }
0x29: {  	_ =	swait.ge [sflag:s21], $0x4000  }
0x2a: {  	[sflag:s21] =	ssyncset.done $0x0  }
0x2b: {  	[sflag:s21] =	ssyncadd.s32 $0xFFFFC000  }
0x2c: {  	_ =	swait.ge [sflag:s21], $0x4000  }
0x2d: {  	[sflag:s21] =	ssyncset.done $0x0  }
0x2e: {  	[sflag:s21] =	ssyncadd.s32 $0xFFFFC000  }
0x2f: {  	_ =	swait.ge [sflag:s21], $0x4000  }
0x30: {  	[sflag:s21] =	ssyncset.done $0x0  }
0x31: {  	v3 =	vimm.f32 $0.0e+00;
	v4 =	vimm.f32 $0.0e+00;
	v2 =	vimm.f32 $0.0e+00;
	s24 =	simm.s32 $0x0;
	[sflag:s21] =	ssyncadd.s32 $0xFFFFC000  }
.LBB2_2:
0x32: {  	s25 =	simm.s32 $0x0  }
0x33: {  	s29 =	sshll.u32 s24, $0x4;
	v5 =	vmov s25  }
0x34: {  	v6 =	vmov s29;
	v5 =	vand.u32 $0x7F, v5  }
0x35: {  	v6 =	vshll.u32 v6, $0x7;
	v5 =	vbroadcast v5, $0x0  }
0x36: {  	v17 =	vor.u32 v0, v6  }
0x37: {  	v7 =	vor.u32 v17, v5;
	_ =	sdelay $0x4  }
0x38: {  	s30 =	simm.s32 $0x1;
	v5 =	vld.idx.msk [tilespmem:v7+s16+$0x0], $0xffff  }
0x39: {  	v6 =	vmov s30;
	v8 =	vld.idx.msk [tilespmem:v7+s18+$0x0], $0xffff  }
0x3a: {  	v6 =	vand.u32 $0x7F, v6;
	v9 =	vld.idx.msk [tilespmem:v7+s8+$0x0], $0xffff  }
0x3b: {  	v6 =	vbroadcast v6, $0x0;
	v10 =	vld.idx.msk [tilespmem:v7+s20+$0x0], $0xffff  }
0x3c: {  	v11 =	vld.idx.msk [tilespmem:v7+s12+$0x0], $0xffff  }
0x3d: {  	v20 =	vor.u32 v17, v6  }
0x3e: {  	v19 =	vimm.f32 $0.0e+00;
	v12 =	vmul.f32 v5, v5;
	v13 =	vadd.f32 v8, v5  }
0x3f: {  	s31 =	simm.s32 $0x2;
	v21 =	vimm.f32 $0.0e+00;
	v6 =	vmul.f32 v8, v8;
	v16 =	vmul.f32 v9, v9  }
0x40: {  	v8 =	vmov s31;
	v15 =	vmul.f32 v10, v10;
	v22 =	vsub.f32 v13, v10;
	v13 =	vld.idx.msk [tilespmem:v7+s14+$0x0], $0xffff  }
0x41: {  	v23 =	vadd.f32 v11, v9;
	v18 =	vmul.f32 v11, v11;
	v9 =	vimm.f32 $0.0e+00  }
0x42: {  	v14 =	vld.idx.msk [tilespmem:v20+s18+$0x0], $0xffff;
	v11 =	vimm.f32 $0.0e+00;
	v24 =	vand.u32 $0x7F, v8;
	v8 =	vimm.f32 $0.0e+00  }
0x43: {  	s25 =	simm.s32 $0x3;
	v5 =	vadd.f32 v12, v1;
	v12 =	vld.idx.msk [tilespmem:v20+s16+$0x0], $0xffff;
	v10 =	vimm.f32 $0.0e+00;
	v7 =	vimm.f32 $0.0e+00  }
.LBB2_3:
0x44: {  	p0 =	sne.s32 s25, $0x7F;
	v24 =	vbroadcast v24, $0x0;
	v25 =	vld.idx.msk [tilespmem:v20+s8+$0x0], $0xffff;
	v22 =	vmul.f32 v22, v22;
	v8 =	vadd.f32 v16, v8  }
0x45: {  	v26 =	vld.idx.msk [tilespmem:v20+s20+$0x0], $0xffff;
	v16 =	vsub.f32 v23, v13;
	v23 =	vmul.f32 v13, v13;
	v9 =	vadd.f32 v18, v9  }
0x46: {  	v10 =	vadd.f32 v15, v10;
	v18 =	vor.u32 v17, v24;
	v27 =	vld.idx.msk [tilespmem:v20+s12+$0x0], $0xffff;
	v19 =	vadd.f32 v22, v19  }
0x47: {  	v7 =	vadd.f32 v6, v7;
	v13 =	vld.idx.msk [tilespmem:v20+s14+$0x0], $0xffff;
	v15 =	vmul.f32 v16, v16;
	v11 =	vadd.f32 v23, v11  }
.Ltmp0:
0x48: {  	v22 =	vmul.f32 v12, v12;
	v20 =	vmov v18;
	(pc) =	sbr.rel @p0 .LBB2_3-.Ltmp0, $4  }
0x49: {  	v23 =	vadd.f32 v14, v12;
	v6 =	vmul.f32 v14, v14;
	v21 =	vadd.f32 v15, v21  }
0x4a: {  	v16 =	vmul.f32 v25, v25;
	v5 =	vadd.f32 v22, v5  }
0x4b: {  	v14 =	vmov s25;
	v22 =	vsub.f32 v23, v26;
	v15 =	vmul.f32 v26, v26;
	v12 =	vld.idx.msk [tilespmem:v18+s16+$0x0], $0xffff  }
0x4c: {  	s25 =	sadd.s32 $0x1, s25;
	v24 =	vand.u32 $0x7F, v14;
	v23 =	vadd.f32 v27, v25;
	v14 =	vld.idx.msk [tilespmem:v18+s18+$0x0], $0xffff;
	v18 =	vmul.f32 v27, v27  }
0x4d: {  	_ = 	snop  }
0x4e: {  	v24 =	vbroadcast v24, $0x0;
	_ =	sdelay $0x1  }
0x4f: {  	v17 =	vor.u32 v17, v24  }
0x50: {  	v58 =	vld.idx.msk [tilespmem:v20+s8+$0x0], $0xffff  }
0x51: {  	v25 =	vld.idx.msk [tilespmem:v20+s20+$0x0], $0xffff  }
0x52: {  	v26 =	vld.idx.msk [tilespmem:v20+s12+$0x0], $0xffff  }
0x53: {  	v59 =	vld.idx.msk [tilespmem:v20+s14+$0x0], $0xffff  }
0x54: {  	v27 =	vld.idx.msk [tilespmem:v17+s16+$0x0], $0xffff  }
0x55: {  	v28 =	vld.idx.msk [tilespmem:v17+s8+$0x0], $0xffff  }
0x56: {  	v29 =	vld.idx.msk [tilespmem:v17+s12+$0x0], $0xffff  }
0x57: {  	v30 =	vld.idx.msk [tilespmem:v17+s18+$0x0], $0xffff  }
0x58: {  	v31 =	vld.idx.msk [tilespmem:v17+s14+$0x0], $0xffff  }
0x59: {  	v23 =	vsub.f32 v23, v13;
	v32 =	vadd.f32 v26, v58;
	v17 =	vld.idx.msk [tilespmem:v17+s20+$0x0], $0xffff  }
0x5a: {  	v33 =	vadd.f32 v14, v12  }
0x5b: {  	v23 =	vmul.f32 v23, v23;
	v32 =	vsub.f32 v32, v59;
	v34 =	vadd.f32 v29, v28  }
0x5c: {  	v22 =	vmul.f32 v22, v22;
	v33 =	vsub.f32 v33, v25;
	v35 =	vadd.f32 v30, v27  }
0x5d: {  	v21 =	vadd.f32 v23, v21;
	v60 =	vmul.f32 v32, v32;
	v61 =	vsub.f32 v34, v31  }
0x5e: {  	v19 =	vadd.f32 v22, v19;
	v62 =	vmul.f32 v33, v33;
	v63 =	vsub.f32 v35, v17  }
0x5f: {  	v21 =	vadd.f32 v60, v21;
	v34 =	vmul.f32 v61, v61  }
0x60: {  	v19 =	vadd.f32 v62, v19;
	v35 =	vmul.f32 v63, v63  }
0x61: {  	v21 =	vadd.f32 v34, v21  }
0x62: {  	v19 =	vadd.f32 v35, v19  }
0x63: {  	v36 =	vshra.s32 v21, $0x1  }
0x64: {  	v23 =	vmul.f32 $5.000000000e-01, v21;
	v37 =	vshra.s32 v19, $0x1;
	v38 =	vmul.f32 $5.000000000e-01, v19  }
0x65: {  	v22 =	vsub.s32 $0x5F3759DF, v36;
	v32 =	vsub.s32 $0x5F3759DF, v37  }
0x66: {  	v39 =	vmul.f32 v22, v23;
	v40 =	vmul.f32 v32, v38;
	_ =	sdelay $0x1  }
0x67: {  	v34 =	vmul.f32 v22, v39;
	v35 =	vmul.f32 v32, v40;
	_ =	sdelay $0x1  }
0x68: {  	v34 =	vsub.f32 $1.500000000e+00, v34;
	v35 =	vsub.f32 $1.500000000e+00, v35  }
0x69: {  	v41 =	vmul.f32 v13, v13  }
0x6a: {  	v8 =	vadd.f32 v16, v8;
	v22 =	vmul.f32 v22, v34;
	v32 =	vmul.f32 v32, v35  }
0x6b: {  	v10 =	vadd.f32 v15, v10;
	v44 =	vmul.f32 v12, v12;
	v45 =	vmul.f32 v14, v14  }
0x6c: {  	v6 =	vadd.f32 v6, v7;
	v34 =	vmul.f32 v22, v23;
	v35 =	vmul.f32 v32, v38  }
0x6d: {  	v9 =	vadd.f32 v18, v9;
	v7 =	vmul.f32 v58, v58;
	v46 =	vmul.f32 v26, v26  }
0x6e: {  	v11 =	vadd.f32 v41, v11;
	v34 =	vmul.f32 v34, v22;
	v35 =	vmul.f32 v35, v32  }
0x6f: {  	v5 =	vadd.f32 v44, v5;
	v49 =	vmul.f32 v25, v25;
	v6 =	vadd.f32 v45, v6  }
0x70: {  	v20 =	vmul.f32 v59, v59;
	v34 =	vsub.f32 $1.500000000e+00, v34;
	v35 =	vsub.f32 $1.500000000e+00, v35  }
0x71: {  	v7 =	vadd.f32 v7, v8;
	v52 =	vmul.f32 v27, v27;
	v53 =	vmul.f32 v28, v28  }
0x72: {  	v9 =	vadd.f32 v46, v9;
	v42 =	vmul.f32 v34, v22;
	v43 =	vmul.f32 v35, v32  }
0x73: {  	v8 =	vadd.f32 v49, v10;
	v54 =	vmul.f32 v31, v31;
	v56 =	vmul.f32 v17, v17  }
0x74: {  	v51 =	vadd.f32 v20, v11;
	v47 =	vmul.f32 v42, v23;
	v48 =	vmul.f32 v43, v38  }
0x75: {  	v57 =	vmul.f32 v29, v29;
	v5 =	vadd.f32 v52, v5;
	v7 =	vadd.f32 v53, v7  }
0x76: {  	v10 =	vadd.f32 v54, v51;
	v12 =	vmul.f32 v47, v42;
	v50 =	vmul.f32 v48, v43  }
0x77: {  	v60 =	vmul.f32 v30, v30;
	v9 =	vadd.f32 v57, v9;
	v8 =	vadd.f32 v56, v8  }
0x78: {  	v12 =	vsub.f32 $1.500000000e+00, v12;
	v14 =	vsub.f32 $1.500000000e+00, v50  }
0x79: {  	v6 =	vadd.f32 v60, v6;
	v7 =	vadd.f32 $-1.000000000e+00, v7  }
0x7a: {  	v10 =	vadd.f32 $-1.000000000e+00, v10;
	v12 =	vmul.f32 v12, v42;
	v55 =	vmul.f32 v14, v43  }
0x7b: {  	v5 =	vadd.f32 $-1.000000000e+00, v5;
	v9 =	vadd.f32 $-1.000000000e+00, v9  }
0x7c: {  	v7 =	vmax.f32 v7, $0.0e+00;
	v58 =	vmul.f32 v12, v21;
	v59 =	vmul.f32 v55, v19  }
0x7d: {  	s24 =	sadd.s32 $0x1, s24;
	v6 =	vadd.f32 $-1.000000000e+00, v6;
	v4 =	vadd.f32 v7, v4  }
0x7e: {  	p0 =	sne.s32 s24, $0x8;
	v62 =	vmax.f32 v9, $0.0e+00;
	v7 =	vmax.f32 v10, $0.0e+00;
	v11 =	vsub.f32 v58, v59  }
.Ltmp1:
0x7f: {  	v3 =	vadd.f32 v62, v3;
	v4 =	vadd.f32 v7, v4;
	(pc) =	sbr.rel @p0 .LBB2_2-.Ltmp1, $4  }
0x80: {  	v5 =	vmax.f32 v5, $0.0e+00;
	v7 =	vadd.f32 $-1.000000000e+00, v8;
	v61 =	vadd.f32 $1.000000000e+00, v11  }
0x81: {  	v6 =	vmax.f32 v6, $0.0e+00;
	v4 =	vadd.f32 v5, v4  }
0x82: {  	v3 =	vadd.f32 v6, v3;
	v5 =	vmax.f32 v7, $0.0e+00;
	v63 =	vmax.f32 v61, $0.0e+00  }
0x83: {  	v4 =	vadd.f32 v5, v4;
	v2 =	vadd.f32 v63, v2  }
0x84: {  	[tilespmem:$0x18420] =	vst v3;
	s23 =	sadd.s32 $0x1, s23  }
0x85: {  	[tilespmem:$0x18400] =	vst v2;
	p0 =	sne.s32 s23, s7  }
.Ltmp2:
0x86: {  	[tilespmem:$0x18410] =	vst v4;
	(pc) =	sbr.rel @p0 .LBB2_1-.Ltmp2, $4  }
0x87: {  	[hbm4b:s6+s4] =	stream.linear.scatter [tilespmem:s22], [sflag:$0x2], $0x80, $0x38;
	[tilespmem:$0x18480] =	vst v63  }
0x88: {  	_ =	swait.ge [sflag:s10], $0x80  }
0x89: {  	[sflag:s10] =	ssyncset.done $0x0  }
0x8a: {  	[sflag:s10] =	ssyncadd.s32 $0xFFFFFF80  }
0x8b: {  	_ =	sfence.sel $0x180000  }
0x8c: {  	[bflag:$0x0] =	sbarrier.arrive $0xFFFF  }
0x8d: {  	p0 =	sne.s32 s1, $0x0;
	_ =	strace $0x90000047  }
0x8e: {  	s0 =	sadd.s32 @!p0 $0x100000, s0;
	[bflag:$0x2] =	sbarrier.arrive $0xFFFF  }
0x8f: {  	[sflag:s0] =	ssyncadd.tile.s32 @!p0 $0x1;
	_ =	shalt  }
.Lfunc_end2:
_tile_overlayer_lowered:
.L_overlay_start_2:
0x90: {  	(tag) =	ssettag $0x2  }
0x91: {  	s0 =	rddreg [dreg:$0x0];
	s2 =	stileid.u32  }
0x92: {  	s1 =	rddreg [dreg:$0x1];
	p0 =	sne.s32 s2, $0x0  }
0x93: {  	s3 =	rddreg [dreg:$0x2];
	[bflag:$0x3] =	sbarrier.arrive $0xFFFF;
	s2 =	simm.s32 @!p0 $0x1C02  }
0x94: {  	[timem:s3], [sflag:s2] =	dma.local @!p0 [hbm:s0], s1  }
0x95: {  	s0 =	simm.s32 @!p0 $0x2  }
0x96: {  	_ =	swait.ge @!p0 [sflag:s0], s1  }
0x97: {  	s1 =	ssub.s32 @!p0 $0x0, s1;
	[sflag:s0] =	ssyncset.done @!p0 $0x0  }
0x98: {  	[sflag:s0] =	ssyncadd.s32 @!p0 s1  }
0x99: {  	[bflag:$0x3] =	sbarrier.arrive $0xFFFF  }
0x9a: {  	_ =	shalt  }

</sc_bundles>
